<compile_context>
chip_gen: v7x
topology: tpu7x:2x2x1
jax: 0.10.2.dev20260603
libtpu: 0.0.44.dev20260713+nightly
codegen_flags: <defaults>
</compile_context>

<pallas_src>
import functools

import jax
import jax.numpy as jnp
from jax import lax
from jax.experimental import pallas as pl
from jax.experimental.pallas import tpu as pltpu
from jax.experimental.pallas import tpu_sc as plsc

_NUM_TRAIN = 1000000
_C = 6
_B = 16384
_BETA = 0.3
_LAM = 0.01

_NW = 32
_CH = 31232


def _compute_body(x_ref, lab_ref, tgt_ref, t_ref, ce_ref, elr_ref, fin_ref):
    x = x_ref[...]
    m = jnp.max(x, axis=0, keepdims=True)
    e = jnp.exp(x - m)
    s = jnp.sum(e, axis=0, keepdims=True)
    y = jnp.clip(e / s, 0.0001, 1.0 - 0.0001)
    norm = y / jnp.sum(y, axis=0, keepdims=True)
    ema = _BETA * tgt_ref[...] + (1.0 - _BETA) * norm
    lab = lab_ref[...]
    row = jax.lax.broadcasted_iota(jnp.int32, x.shape, 0)
    t = jnp.where((lab != 0) | (row != 3), y, ema)
    t_ref[...] = t

    logp = (x - m) - jnp.log(s)
    ce = -jnp.sum(jnp.where(row == lab, logp, 0.0)) / _B
    dot = jnp.sum(t * y, axis=0, keepdims=True)
    elr = jnp.sum(jnp.log(1.0 - dot)) * (_LAM / _B)
    ce_ref[0, 0] = ce
    elr_ref[0, 0] = elr
    fin_ref[0, 0] = ce + elr


def _make_sc_copy():
    mesh = plsc.VectorSubcoreMesh(core_axis_name="c", subcore_axis_name="s")

    @functools.partial(
        pl.kernel,
        mesh=mesh,
        out_type=jax.ShapeDtypeStruct((_C, _NUM_TRAIN), jnp.float32),
    )
    def sc_copy(t_hbm, src_hbm, out_hbm):
        wid = lax.axis_index("s") * 2 + lax.axis_index("c")
        base = wid * _CH
        pltpu.sync_copy(src_hbm.at[:, pl.ds(base, _CH)],
                        out_hbm.at[:, pl.ds(base, _CH)])

        @pl.when(wid == _NW - 1)
        def _():
            rem = _NUM_TRAIN - _NW * _CH
            pltpu.sync_copy(src_hbm.at[:, pl.ds(_NW * _CH, rem)],
                            out_hbm.at[:, pl.ds(_NW * _CH, rem)])

        @pl.when(wid == 0)
        def _():
            pltpu.sync_copy(t_hbm, out_hbm.at[:, pl.ds(0, _B)])

    return sc_copy


_sc_copy = _make_sc_copy()


def kernel(index, output, label, target_train):
    del index
    x_t = output.T
    tgt_t = target_train.T
    lab2 = label.reshape(1, _B)

    t_t, ce, elr, fin = pl.pallas_call(
        _compute_body,
        grid=(1,),
        in_specs=[
            pl.BlockSpec((_C, _B), lambda i: (0, 0)),
            pl.BlockSpec((1, _B), lambda i: (0, 0)),
            pl.BlockSpec((_C, _B), lambda i: (0, 0)),
        ],
        out_specs=[
            pl.BlockSpec((_C, _B), lambda i: (0, 0)),
            pl.BlockSpec(memory_space=pltpu.MemorySpace.SMEM),
            pl.BlockSpec(memory_space=pltpu.MemorySpace.SMEM),
            pl.BlockSpec(memory_space=pltpu.MemorySpace.SMEM),
        ],
        out_shape=[
            jax.ShapeDtypeStruct((_C, _B), jnp.float32),
            jax.ShapeDtypeStruct((1, 1), jnp.float32),
            jax.ShapeDtypeStruct((1, 1), jnp.float32),
            jax.ShapeDtypeStruct((1, 1), jnp.float32),
        ],
    )(x_t, lab2, tgt_t)

    new_t = _sc_copy(t_t, tgt_t)
    return (fin[0, 0], elr[0, 0], new_t.T)

# --- scband reference (transcript-rebuilt; emitter-appended) ---
"""Pipeline reference for scband-elrloss-50646254354453 (READ-ONLY COPY).

The authoritative reference and input builder live on the scoring server;
editing this copy changes nothing except your own understanding.
"""

import jax, jax.numpy as jnp
import numpy as np

NUM_TRAIN = 1000000
NUM_CLASSES = 6
B = 16384
BETA = 0.3
LAM = 0.01


def setup_inputs(seed: int = 0) -> dict:
    key = jax.random.key(seed)
    k1, k2 = jax.random.split(key)
    index = jnp.arange(B, dtype=jnp.int32)
    output = jax.random.normal(k1, (B, NUM_CLASSES), dtype=jnp.float32)
    label = jax.random.randint(k2, (B,), 0, NUM_CLASSES, dtype=jnp.int32)
    # state buffer corresponding to self.target['train'] (zeros at init)
    target_train = jnp.zeros((NUM_TRAIN, NUM_CLASSES), dtype=jnp.float32)
    return {"index": index, "output": output, "label": label, "target_train": target_train}


def reference(index, output, label, target_train):
    # y_pred = softmax(output) clamped
    y_pred = jax.nn.softmax(output, axis=1)
    y_pred = jnp.clip(y_pred, 0.0001, 1.0 - 0.0001)
    y_pred_ = jax.lax.stop_gradient(y_pred)

    # gather rows of the running-target memory
    t = jnp.take(target_train, index, axis=0)
    # EMA update
    t = BETA * t + (1.0 - BETA) * (y_pred_ / jnp.sum(y_pred_, axis=1, keepdims=True))

    # fix=False branch: overwrite where (label != 0) OR class in {0,1,2,4,5}
    true_classes = jnp.array([0, 1, 2, 4, 5], dtype=jnp.int32)
    all_classes = jnp.arange(6, dtype=jnp.int32)
    class_mask = jnp.any(all_classes[:, None] == true_classes[None, :], axis=-1)  # [6]
    mask = (label[:, None] != 0) | class_mask[None, :]  # [B, 6]
    t = jnp.where(mask, y_pred_, t)

    # scatter-overwrite the updated rows back into the memory buffer
    new_target = target_train.at[index].set(t)

    # cross-entropy with integer labels
    log_probs = jax.nn.log_softmax(output, axis=1)
    ce_loss = -jnp.mean(jnp.take_along_axis(log_probs, label[:, None], axis=1)[:, 0])

    # ELR regularizer reads the freshly-written rows (indices are unique)
    elr_reg = jnp.mean(jnp.log(1.0 - jnp.sum(t * y_pred, axis=1))) * LAM

    final_loss = ce_loss + elr_reg
    return (final_loss, elr_reg, new_target)

if __name__ == "__main__":
    import jax
    _d = setup_inputs()
    print(jax.jit(kernel)(*tuple(_d.values())))

</pallas_src>

<mosaic_0001>
#map = affine_map<(d0, d1) -> (0, 0)>
module attributes {stable_mosaic.version = 14 : i64} {
  func.func @sc_copy(%arg0: i32, %arg1: i32, %arg2: memref<6x16384xf32, #tpu.memory_space<hbm>>, %arg3: memref<6x1000000xf32, #tpu.memory_space<hbm>>, %arg4: memref<6x1000000xf32, #tpu.memory_space<hbm>>) attributes {dimension_semantics = [#tpu.dimension_semantics<core_parallel>, #tpu.dimension_semantics<subcore_parallel>], iteration_bounds = array<i64: 2, 16>, scalar_prefetch = 0 : i64, scratch_operands = 0 : i64, tpu.core_type = #tpu.core_type<sc_vector_subcore>, window_params = [{transform_indices = #map}, {transform_indices = #map}, {transform_indices = #map}]} {
    %mul3A = arith.constant 2 : i32
    %mul3A_0 = arith.muli %arg1, %mul3A : i32
    %add3A = arith.addi %mul3A_0, %arg0 : i32
    %mul3A_1 = arith.constant 31232 : i32
    %mul3A_2 = arith.muli %add3A, %mul3A_1 : i32
    "tpu.region"() ({
      %run_scoped3A = tpu.sem_alloc : memref<!tpu.dma_semaphore, #tpu.memory_space<semaphore_mem>>
      %dma_start3A = arith.constant 0 : i32
      %dma_start3A_10 = tpu.memref_slice %arg4[%dma_start3A, %mul3A_2] : memref<6x1000000xf32, #tpu.memory_space<hbm>> -> memref<6x31232xf32, #tpu.memory_space<hbm>>
      %dma_start3A_11 = arith.constant 0 : i32
      %dma_start3A_12 = tpu.memref_slice %arg3[%dma_start3A_11, %mul3A_2] : memref<6x1000000xf32, #tpu.memory_space<hbm>> -> memref<6x31232xf32, #tpu.memory_space<hbm>>
      tpu.enqueue_dma source(%dma_start3A_12 : memref<6x31232xf32, #tpu.memory_space<hbm>>) target(%dma_start3A_10 : memref<6x31232xf32, #tpu.memory_space<hbm>>) target_semaphore(%run_scoped3A : memref<!tpu.dma_semaphore, #tpu.memory_space<semaphore_mem>>)
      %dma_wait3A = arith.constant 0 : i32
      %dma_wait3A_13 = tpu.memref_slice %arg4[%dma_wait3A, %mul3A_2] : memref<6x1000000xf32, #tpu.memory_space<hbm>> -> memref<6x31232xf32, #tpu.memory_space<hbm>>
      %dma_wait3A_14 = arith.constant 0 : i32
      %dma_wait3A_15 = tpu.memref_slice %arg3[%dma_wait3A_14, %mul3A_2] : memref<6x1000000xf32, #tpu.memory_space<hbm>> -> memref<6x31232xf32, #tpu.memory_space<hbm>>
      tpu.wait_dma2 semaphore(%run_scoped3A : memref<!tpu.dma_semaphore, #tpu.memory_space<semaphore_mem>>) src(%dma_wait3A_15 : memref<6x31232xf32, #tpu.memory_space<hbm>>) dst(%dma_wait3A_13 : memref<6x31232xf32, #tpu.memory_space<hbm>>)
      tpu.yield
    }) : () -> ()
    %eq3A = arith.constant 31 : i32
    %eq3A_3 = arith.cmpi eq, %add3A, %eq3A : i32
    %convert_element_type3A = arith.extui %eq3A_3 : i1 to i32
    %cond3A = arith.constant 0 : i32
    %cond3A_4 = arith.cmpi ne, %convert_element_type3A, %cond3A : i32
    scf.if %cond3A_4 {
      "tpu.region"() ({
        %run_scoped3A = tpu.sem_alloc : memref<!tpu.dma_semaphore, #tpu.memory_space<semaphore_mem>>
        %dma_start3A = arith.constant 0 : i32
        %dma_start3A_10 = arith.constant 999424 : i32
        %dma_start3A_11 = tpu.memref_slice %arg4[%dma_start3A, %dma_start3A_10] : memref<6x1000000xf32, #tpu.memory_space<hbm>> -> memref<6x576xf32, #tpu.memory_space<hbm>>
        %dma_start3A_12 = arith.constant 0 : i32
        %dma_start3A_13 = arith.constant 999424 : i32
        %dma_start3A_14 = tpu.memref_slice %arg3[%dma_start3A_12, %dma_start3A_13] : memref<6x1000000xf32, #tpu.memory_space<hbm>> -> memref<6x576xf32, #tpu.memory_space<hbm>>
        tpu.enqueue_dma source(%dma_start3A_14 : memref<6x576xf32, #tpu.memory_space<hbm>>) target(%dma_start3A_11 : memref<6x576xf32, #tpu.memory_space<hbm>>) target_semaphore(%run_scoped3A : memref<!tpu.dma_semaphore, #tpu.memory_space<semaphore_mem>>)
        %dma_wait3A = arith.constant 0 : i32
        %dma_wait3A_15 = arith.constant 999424 : i32
        %dma_wait3A_16 = tpu.memref_slice %arg4[%dma_wait3A, %dma_wait3A_15] : memref<6x1000000xf32, #tpu.memory_space<hbm>> -> memref<6x576xf32, #tpu.memory_space<hbm>>
        %dma_wait3A_17 = arith.constant 0 : i32
        %dma_wait3A_18 = arith.constant 999424 : i32
        %dma_wait3A_19 = tpu.memref_slice %arg3[%dma_wait3A_17, %dma_wait3A_18] : memref<6x1000000xf32, #tpu.memory_space<hbm>> -> memref<6x576xf32, #tpu.memory_space<hbm>>
        tpu.wait_dma2 semaphore(%run_scoped3A : memref<!tpu.dma_semaphore, #tpu.memory_space<semaphore_mem>>) src(%dma_wait3A_19 : memref<6x576xf32, #tpu.memory_space<hbm>>) dst(%dma_wait3A_16 : memref<6x576xf32, #tpu.memory_space<hbm>>)
        tpu.yield
      }) : () -> ()
    } else {
    }
    %eq3A_5 = arith.constant 0 : i32
    %eq3A_6 = arith.cmpi eq, %add3A, %eq3A_5 : i32
    %convert_element_type3A_7 = arith.extui %eq3A_6 : i1 to i32
    %cond3A_8 = arith.constant 0 : i32
    %cond3A_9 = arith.cmpi ne, %convert_element_type3A_7, %cond3A_8 : i32
    scf.if %cond3A_9 {
      "tpu.region"() ({
        %run_scoped3A = tpu.sem_alloc : memref<!tpu.dma_semaphore, #tpu.memory_space<semaphore_mem>>
        %dma_start3A = arith.constant 0 : i32
        %dma_start3A_10 = arith.constant 0 : i32
        %dma_start3A_11 = tpu.memref_slice %arg4[%dma_start3A, %dma_start3A_10] : memref<6x1000000xf32, #tpu.memory_space<hbm>> -> memref<6x16384xf32, #tpu.memory_space<hbm>>
        tpu.enqueue_dma source(%arg2 : memref<6x16384xf32, #tpu.memory_space<hbm>>) target(%dma_start3A_11 : memref<6x16384xf32, #tpu.memory_space<hbm>>) target_semaphore(%run_scoped3A : memref<!tpu.dma_semaphore, #tpu.memory_space<semaphore_mem>>)
        %dma_wait3A = arith.constant 0 : i32
        %dma_wait3A_12 = arith.constant 0 : i32
        %dma_wait3A_13 = tpu.memref_slice %arg4[%dma_wait3A, %dma_wait3A_12] : memref<6x1000000xf32, #tpu.memory_space<hbm>> -> memref<6x16384xf32, #tpu.memory_space<hbm>>
        tpu.wait_dma2 semaphore(%run_scoped3A : memref<!tpu.dma_semaphore, #tpu.memory_space<semaphore_mem>>) src(%arg2 : memref<6x16384xf32, #tpu.memory_space<hbm>>) dst(%dma_wait3A_13 : memref<6x16384xf32, #tpu.memory_space<hbm>>)
        tpu.yield
      }) : () -> ()
    } else {
    }
    return
  }
}

module attributes {stable_mosaic.version = 14 : i64} {
  func.func @_compute_body(%arg0: i32, %arg1: memref<6x16384xf32, #tpu.memory_space<vmem>>, %arg2: memref<1x16384xi32, #tpu.memory_space<vmem>>, %arg3: memref<6x16384xf32, #tpu.memory_space<vmem>>, %arg4: memref<6x16384xf32, #tpu.memory_space<vmem>>, %arg5: memref<1x1xf32, #tpu.memory_space<smem>>, %arg6: memref<1x1xf32, #tpu.memory_space<smem>>, %arg7: memref<1x1xf32, #tpu.memory_space<smem>>) attributes {dimension_semantics = [#tpu.dimension_semantics<arbitrary>], iteration_bounds = array<i64: 1>, scalar_prefetch = 0 : i64, scratch_operands = 0 : i64, tpu.core_type = #tpu.core_type<tc>, window_params = [{pipeline_mode = #tpu.pipeline_mode<synchronous>, transform_indices = @transform_0, window_bounds = array<i64: 6, 16384>}, {pipeline_mode = #tpu.pipeline_mode<synchronous>, transform_indices = @transform_1, window_bounds = array<i64: 1, 16384>}, {transform_indices = @transform_2, window_bounds = array<i64: 6, 16384>}, {pipeline_mode = #tpu.pipeline_mode<synchronous>, transform_indices = @transform_3, window_bounds = array<i64: 6, 16384>}, {transform_indices = @transform_4, window_bounds = array<i64: 1, 1>}, {transform_indices = @transform_5, window_bounds = array<i64: 1, 1>}, {transform_indices = @transform_6, window_bounds = array<i64: 1, 1>}]} {
    %get3A = arith.constant 0 : index
    %get3A_0 = arith.constant 0 : index
    %get3A_1 = vector.load %arg1[%get3A, %get3A_0] : memref<6x16384xf32, #tpu.memory_space<vmem>>, vector<6x16384xf32>
    %reduce_max3A = arith.constant dense<0xFF800000> : vector<16384xf32>
    %reduce_max3A_2 = vector.multi_reduction <maximumf>, %get3A_1, %reduce_max3A [0] : vector<6x16384xf32> to vector<16384xf32>
    %broadcast_in_dim3A = vector.shape_cast %reduce_max3A_2 : vector<16384xf32> to vector<1x16384xf32>
    %sub3A = vector.broadcast %broadcast_in_dim3A : vector<1x16384xf32> to vector<6x16384xf32>
    %sub3A_3 = arith.subf %get3A_1, %sub3A : vector<6x16384xf32>
    %exp3A = math.exp %sub3A_3 : vector<6x16384xf32>
    %reduce_sum3A = arith.constant dense<0.000000e+00> : vector<16384xf32>
    %reduce_sum3A_4 = vector.multi_reduction <add>, %exp3A, %reduce_sum3A [0] : vector<6x16384xf32> to vector<16384xf32>
    %broadcast_in_dim3A_5 = vector.shape_cast %reduce_sum3A_4 : vector<16384xf32> to vector<1x16384xf32>
    %div3A = vector.broadcast %broadcast_in_dim3A_5 : vector<1x16384xf32> to vector<6x16384xf32>
    %div3A_6 = arith.divf %exp3A, %div3A : vector<6x16384xf32>
    %jit3A = arith.constant 9.99999974E-5 : f32
    %jit3A_7 = arith.constant 0.999899983 : f32
    %max3A = vector.broadcast %jit3A : f32 to vector<6x16384xf32>
    %max3A_8 = arith.maximumf %max3A, %div3A_6 : vector<6x16384xf32>
    %min3A = vector.broadcast %jit3A_7 : f32 to vector<6x16384xf32>
    %min3A_9 = arith.minimumf %min3A, %max3A_8 : vector<6x16384xf32>
    %reduce_sum3A_10 = arith.constant dense<0.000000e+00> : vector<16384xf32>
    %reduce_sum3A_11 = vector.multi_reduction <add>, %min3A_9, %reduce_sum3A_10 [0] : vector<6x16384xf32> to vector<16384xf32>
    %broadcast_in_dim3A_12 = vector.shape_cast %reduce_sum3A_11 : vector<16384xf32> to vector<1x16384xf32>
    %div3A_13 = vector.broadcast %broadcast_in_dim3A_12 : vector<1x16384xf32> to vector<6x16384xf32>
    %div3A_14 = arith.divf %min3A_9, %div3A_13 : vector<6x16384xf32>
    %get3A_15 = arith.constant 0 : index
    %get3A_16 = arith.constant 0 : index
    %get3A_17 = vector.load %arg3[%get3A_15, %get3A_16] : memref<6x16384xf32, #tpu.memory_space<vmem>>, vector<6x16384xf32>
    %mul3A = arith.constant 3.000000e-01 : f32
    %mul3A_18 = vector.broadcast %mul3A : f32 to vector<6x16384xf32>
    %mul3A_19 = arith.mulf %mul3A_18, %get3A_17 : vector<6x16384xf32>
    %mul3A_20 = arith.constant 0.699999988 : f32
    %mul3A_21 = vector.broadcast %mul3A_20 : f32 to vector<6x16384xf32>
    %mul3A_22 = arith.mulf %mul3A_21, %div3A_14 : vector<6x16384xf32>
    %add3A = arith.addf %mul3A_19, %mul3A_22 : vector<6x16384xf32>
    %get3A_23 = arith.constant 0 : index
    %get3A_24 = arith.constant 0 : index
    %get3A_25 = vector.load %arg2[%get3A_23, %get3A_24] : memref<1x16384xi32, #tpu.memory_space<vmem>>, vector<1x16384xi32>
    %iota3A = tpu.iota {dimensions = array<i32: 0>} : vector<6x16384xi32>
    %ne3A = arith.constant 0 : i32
    %ne3A_26 = vector.broadcast %ne3A : i32 to vector<1x16384xi32>
    %ne3A_27 = arith.cmpi ne, %get3A_25, %ne3A_26 : vector<1x16384xi32>
    %ne3A_28 = arith.constant 3 : i32
    %ne3A_29 = vector.broadcast %ne3A_28 : i32 to vector<6x16384xi32>
    %ne3A_30 = arith.cmpi ne, %iota3A, %ne3A_29 : vector<6x16384xi32>
    %or3A = vector.broadcast %ne3A_27 : vector<1x16384xi1> to vector<6x16384xi1>
    %or3A_31 = arith.ori %or3A, %ne3A_30 : vector<6x16384xi1>
    %select_n3A = arith.select %or3A_31, %min3A_9, %add3A : vector<6x16384xi1>, vector<6x16384xf32>
    %swap3A = arith.constant 0 : index
    %swap3A_32 = arith.constant 0 : index
    %swap3A_33 = vector.load %arg4[%swap3A, %swap3A_32] : memref<6x16384xf32, #tpu.memory_space<vmem>>, vector<6x16384xf32>
    tpu.vector_store %arg4[%swap3A, %swap3A_32], %select_n3A {strides = array<i32>} : memref<6x16384xf32, #tpu.memory_space<vmem>>, vector<6x16384xf32>,
    %sub3A_34 = vector.broadcast %broadcast_in_dim3A : vector<1x16384xf32> to vector<6x16384xf32>
    %sub3A_35 = arith.subf %get3A_1, %sub3A_34 : vector<6x16384xf32>
    %log3A = math.log %broadcast_in_dim3A_5 : vector<1x16384xf32>
    %sub3A_36 = vector.broadcast %log3A : vector<1x16384xf32> to vector<6x16384xf32>
    %sub3A_37 = arith.subf %sub3A_35, %sub3A_36 : vector<6x16384xf32>
    %eq3A = vector.broadcast %get3A_25 : vector<1x16384xi32> to vector<6x16384xi32>
    %eq3A_38 = arith.cmpi eq, %iota3A, %eq3A : vector<6x16384xi32>
    %jit3A_39 = arith.constant 0.000000e+00 : f32
    %broadcast_in_dim3A_40 = vector.broadcast %jit3A_39 : f32 to vector<6x16384xf32>
    %select_n3A_41 = arith.select %eq3A_38, %sub3A_37, %broadcast_in_dim3A_40 : vector<6x16384xi1>, vector<6x16384xf32>
    %reduce_sum3A_42 = vector.shape_cast %select_n3A_41 : vector<6x16384xf32> to vector<1x6x16384xf32>
    %reduce_sum3A_43 = arith.constant dense<0.000000e+00> : vector<1xf32>
    %reduce_sum3A_44 = vector.multi_reduction <add>, %reduce_sum3A_42, %reduce_sum3A_43 [1, 2] : vector<1x6x16384xf32> to vector<1xf32>
    %reduce_sum3A_45 = vector.shape_cast %reduce_sum3A_44 : vector<1xf32> to vector<1x1x1xf32>
    %reduce_sum3A_46 = vector.extract %reduce_sum3A_45[0, 0, 0] : f32 from vector<1x1x1xf32>
    %neg3A = arith.constant 0.000000e+00 : f32
    %neg3A_47 = arith.subf %neg3A, %reduce_sum3A_46 : f32
    %div3A_48 = arith.constant 1.638400e+04 : f32
    %div3A_49 = arith.divf %neg3A_47, %div3A_48 : f32
    %mul3A_50 = arith.mulf %select_n3A, %min3A_9 : vector<6x16384xf32>
    %reduce_sum3A_51 = arith.constant dense<0.000000e+00> : vector<16384xf32>
    %reduce_sum3A_52 = vector.multi_reduction <add>, %mul3A_50, %reduce_sum3A_51 [0] : vector<6x16384xf32> to vector<16384xf32>
    %broadcast_in_dim3A_53 = vector.shape_cast %reduce_sum3A_52 : vector<16384xf32> to vector<1x16384xf32>
    %sub3A_54 = arith.constant 1.000000e+00 : f32
    %sub3A_55 = vector.broadcast %sub3A_54 : f32 to vector<1x16384xf32>
    %sub3A_56 = arith.subf %sub3A_55, %broadcast_in_dim3A_53 : vector<1x16384xf32>
    %log3A_57 = math.log %sub3A_56 : vector<1x16384xf32>
    %reduce_sum3A_58 = vector.shape_cast %log3A_57 : vector<1x16384xf32> to vector<1x1x16384xf32>
    %reduce_sum3A_59 = arith.constant dense<0.000000e+00> : vector<1xf32>
    %reduce_sum3A_60 = vector.multi_reduction <add>, %reduce_sum3A_58, %reduce_sum3A_59 [1, 2] : vector<1x1x16384xf32> to vector<1xf32>
    %reduce_sum3A_61 = vector.shape_cast %reduce_sum3A_60 : vector<1xf32> to vector<1x1x1xf32>
    %reduce_sum3A_62 = vector.extract %reduce_sum3A_61[0, 0, 0] : f32 from vector<1x1x1xf32>
    %mul3A_63 = arith.constant 6.10351549E-7 : f32
    %mul3A_64 = arith.mulf %reduce_sum3A_62, %mul3A_63 : f32
    %swap3A_65 = arith.constant 0 : index
    %swap3A_66 = arith.constant 0 : index
    %swap3A_67 = memref.load %arg5[%swap3A_65, %swap3A_66] : memref<1x1xf32, #tpu.memory_space<smem>>
    memref.store %div3A_49, %arg5[%swap3A_65, %swap3A_66] : memref<1x1xf32, #tpu.memory_space<smem>>
    %swap3A_68 = arith.constant 0 : index
    %swap3A_69 = arith.constant 0 : index
    %swap3A_70 = memref.load %arg6[%swap3A_68, %swap3A_69] : memref<1x1xf32, #tpu.memory_space<smem>>
    memref.store %mul3A_64, %arg6[%swap3A_68, %swap3A_69] : memref<1x1xf32, #tpu.memory_space<smem>>
    %add3A_71 = arith.addf %div3A_49, %mul3A_64 : f32
    %swap3A_72 = arith.constant 0 : index
    %swap3A_73 = arith.constant 0 : index
    %swap3A_74 = memref.load %arg7[%swap3A_72, %swap3A_73] : memref<1x1xf32, #tpu.memory_space<smem>>
    memref.store %add3A_71, %arg7[%swap3A_72, %swap3A_73] : memref<1x1xf32, #tpu.memory_space<smem>>
    return
  }
  func.func @transform_0(%arg0: i32) -> (i32, i32) {
    %c0_i32 = arith.constant 0 : i32
    %c0_i32_0 = arith.constant 0 : i32
    %c0_i32_1 = arith.constant 0 : i32
    return %c0_i32, %c0_i32_0 : i32, i32
  }
  func.func @transform_1(%arg0: i32) -> (i32, i32) {
    %c0_i32 = arith.constant 0 : i32
    %c0_i32_0 = arith.constant 0 : i32
    %c0_i32_1 = arith.constant 0 : i32
    return %c0_i32, %c0_i32_0 : i32, i32
  }
  func.func @transform_2(%arg0: i32) -> (i32, i32) {
    %c0_i32 = arith.constant 0 : i32
    %c0_i32_0 = arith.constant 0 : i32
    %c0_i32_1 = arith.constant 0 : i32
    return %c0_i32, %c0_i32_0 : i32, i32
  }
  func.func @transform_3(%arg0: i32) -> (i32, i32) {
    %c0_i32 = arith.constant 0 : i32
    %c0_i32_0 = arith.constant 0 : i32
    %c0_i32_1 = arith.constant 0 : i32
    return %c0_i32, %c0_i32_0 : i32, i32
  }
  func.func @transform_4(%arg0: i32) -> (i32, i32) {
    %c0_i32 = arith.constant 0 : i32
    %c0_i32_0 = arith.constant 0 : i32
    %c0_i32_1 = arith.constant 0 : i32
    return %c0_i32, %c0_i32_0 : i32, i32
  }
  func.func @transform_5(%arg0: i32) -> (i32, i32) {
    %c0_i32 = arith.constant 0 : i32
    %c0_i32_0 = arith.constant 0 : i32
    %c0_i32_1 = arith.constant 0 : i32
    return %c0_i32, %c0_i32_0 : i32, i32
  }
  func.func @transform_6(%arg0: i32) -> (i32, i32) {
    %c0_i32 = arith.constant 0 : i32
    %c0_i32_0 = arith.constant 0 : i32
    %c0_i32_1 = arith.constant 0 : i32
    return %c0_i32, %c0_i32_0 : i32, i32
  }
}

</mosaic_0001>

<sc_bundles>
// kernel: kernel.4.cloned.1.call-start
scs
__scs_entry_jumppad:
0x0: {  	(pc) =	sbr.rel $0x88, $3  }
0x1: {  	(tag) =	ssettag $0x0;
	lr =	simm.s32 $0x1  }
0x2: {  	[smem:$0x3F9E] =	sst lr;
	_ =	strace $0xD0000000  }
0x3: {  	_ = 	snop  }
0x4: {  	_ = 	snop  }
0x5: {  	_ = 	snop  }
0x6: {  	_ = 	snop  }
0x7: {  	_ = 	snop  }
__scs_overlays_trampoline_lowered:
0x8: {  	[smem:$0x3FAD] =	sst s0  }
0x9: {  	[smem:$0x3FAE] =	sst s1  }
0xa: {  	[smem:$0x3FAF] =	sst s2  }
0xb: {  	[smem:$0x3FB0] =	sst s3  }
0xc: {  	[smem:$0x3FB1] =	sst s4  }
0xd: {  	[smem:$0x3FB2] =	sst s5  }
0xe: {  	[smem:$0x3FB3] =	sst s6  }
0xf: {  	[smem:$0x3FB4] =	sst s7  }
0x10: {  	[smem:$0x3FB5] =	sst s8  }
0x11: {  	[smem:$0x3FB6] =	sst s9;
	s0 =	simm.s32 @!p0 $0x0  }
0x12: {  	s1 =	sld [smem:$0x3F9C];
	s0 =	simm.s32 @p0 $0x1  }
0x13: {  	[smem:$0x3FB7] =	sst s0;
	s0 =	simm.s32 @!p1 $0x0  }
0x14: {  	s2 =	sld [smem:$0x3F9B];
	s0 =	simm.s32 @p1 $0x1  }
0x15: {  	[smem:$0x3FB8] =	sst s0;
	s0 =	simm.s32 @!p2 $0x0  }
0x16: {  	s3 =	sld [smem:$0x3FDB];
	s0 =	simm.s32 @p2 $0x1  }
0x17: {  	s4 =	simm.s32 $0x1BF5;
	[smem:$0x3FBA] =	sst s0  }
0x18: {  	s0 =	sld [smem:$0x3F9D];
	_ =	swait.ge [sflag:s4], $0x0  }
0x19: {  	s7 =	sld [smem:$0x3F9E]  }
0x1a: {  	s8 =	sadd.s32 $0xFFFFE003, lr  }
0x1b: {  	s9 =	sadd.s32 $0xFFFFFEF7, lr;
	s5 =	simm.s32 $0xFFFFFFFF;
	p2 =	slt.u32 s8, $0xFFFFF086  }
0x1c: {  	p1 =	slt.u32 s9, $0xF7A;
	s5 =	simm.s32 @!p2 $0x0  }
0x1d: {  	s5 =	simm.s32 @p1 $0x1;
	p0 =	seq.s32 s7, s2  }
0x1e: {  	s7 =	smul.u32 @!p0 $0xF7A, s2;
	p2 =	seq.s32 @!p0 s5, $0x0  }
0x1f: {  	s9 =	smul.u32 $0xF7A, s1;
	s8 =	simm.s32 @!p0 $0x1BF5;
	p2 =	por !p2, p0  }
0x20: {  	[sflag:s8] =	ssyncset.s32 @!p0 $0xFFFFF086;
	s6 =	sadd.s32 @!p0 s3, s7;
	s7 =	simm.s32 @!p0 $0x108  }
0x21: {  	s3 =	sadd.s32 s3, s9;
	s6 =	sadd.s32 @!p0 $0x88, s6;
	s7 =	simm.s32 @p2 $0x1082  }
0x22: {  	[simem:s7], [sflag:s8] =	dma.local @!p0 [hbm:s6], $0xF7A  }
0x23: {  	s9 =	sor.u32 $0xD0000000, s2;
	s6 =	simm.s32 $0x108;
	_ =	swait.ge @!p0 [sflag:s8], $0x0  }
0x24: {  	s3 =	sadd.s32 $0x88, s3;
	s6 =	simm.s32 @!p1 $0x1082;
	[sflag:s4] =	ssyncset.s32 $0xFFFFF086  }
0x25: {  	[simem:s6], [sflag:s4] =	dma.local [hbm:s3], $0xF7A  }
0x26: {  	[smem:$0x3F9E] =	sst s1;
	(tag) =	ssettag s2;
	_ =	strace s9  }
0x27: {  	s1 =	sld [smem:$0x3FAE]  }
0x28: {  	s2 =	sld [smem:$0x3FAF]  }
0x29: {  	s4 =	sld [smem:$0x3FB1]  }
0x2a: {  	p0 =	seq.s32 s5, $0x0;
	s5 =	sld [smem:$0x3FB2]  }
0x2b: {  	s6 =	sld [smem:$0x3FB3]  }
0x2c: {  	s7 =	sld [smem:$0x3FB4]  }
0x2d: {  	s3 =	simm.s32 $0x108;
	s8 =	sld [smem:$0x3FB5]  }
0x2e: {  	s3 =	simm.s32 @!p0 $0x1082;
	s9 =	sld [smem:$0x3FB6]  }
0x2f: {  	lr =	sadd.s32 s0, s3;
	s0 =	sld [smem:$0x3FAD]  }
0x30: {  	s3 =	sld [smem:$0x3FB0]  }
0x31: {  	[smem:$0x3FB9] =	sst s10  }
0x32: {  	s10 =	sld [smem:$0x3FB7];
	_ =	sdelay $0x3  }
0x33: {  	p0 =	seq.s32 s10, $0x1;
	s10 =	sld [smem:$0x3FB9];
	_ =	sdelay $0x3  }
0x34: {  	[smem:$0x3FB9] =	sst s10  }
0x35: {  	s10 =	sld [smem:$0x3FB8];
	_ =	sdelay $0x3  }
0x36: {  	p1 =	seq.s32 s10, $0x1;
	s10 =	sld [smem:$0x3FB9];
	_ =	sdelay $0x3  }
0x37: {  	[smem:$0x3FB9] =	sst s10  }
0x38: {  	s10 =	sld [smem:$0x3FBA]  }
0x39: {  	_ = 	snop;
	(pc) =	sbr.ind lr, $3  }
0x3a: {  	_ = 	snop  }
0x3b: {  	_ = 	snop  }
0x3c: {  	p2 =	seq.s32 s10, $0x1;
	s10 =	sld [smem:$0x3FB9]  }
0x3d: {  	_ =	shalt  }
0x3e: {  	_ =	shalt  }
0x3f: {  	_ =	shalt  }
0x40: {  	_ =	shalt  }
0x41: {  	_ =	shalt  }
0x42: {  	_ =	shalt  }
0x43: {  	_ =	shalt  }
0x44: {  	_ =	shalt  }
0x45: {  	_ =	shalt  }
0x46: {  	_ =	shalt  }
0x47: {  	_ =	shalt  }
0x48: {  	_ =	shalt  }
0x49: {  	_ =	shalt  }
0x4a: {  	_ =	shalt  }
0x4b: {  	_ =	shalt  }
0x4c: {  	_ =	shalt  }
0x4d: {  	_ =	shalt  }
0x4e: {  	_ =	shalt  }
0x4f: {  	_ =	shalt  }
0x50: {  	_ =	shalt  }
0x51: {  	_ =	shalt  }
0x52: {  	_ =	shalt  }
0x53: {  	_ =	shalt  }
0x54: {  	_ =	shalt  }
0x55: {  	_ =	shalt  }
0x56: {  	_ =	shalt  }
0x57: {  	_ =	shalt  }
0x58: {  	_ =	shalt  }
0x59: {  	_ =	shalt  }
0x5a: {  	_ =	shalt  }
0x5b: {  	_ =	shalt  }
0x5c: {  	_ =	shalt  }
0x5d: {  	_ =	shalt  }
0x5e: {  	_ =	shalt  }
0x5f: {  	_ =	shalt  }
0x60: {  	_ =	shalt  }
0x61: {  	_ =	shalt  }
0x62: {  	_ =	shalt  }
0x63: {  	_ =	shalt  }
0x64: {  	_ =	shalt  }
0x65: {  	_ =	shalt  }
0x66: {  	_ =	shalt  }
0x67: {  	_ =	shalt  }
0x68: {  	_ =	shalt  }
0x69: {  	_ =	shalt  }
0x6a: {  	_ =	shalt  }
0x6b: {  	_ =	shalt  }
0x6c: {  	_ =	shalt  }
0x6d: {  	_ =	shalt  }
0x6e: {  	_ =	shalt  }
0x6f: {  	_ =	shalt  }
0x70: {  	_ =	shalt  }
0x71: {  	_ =	shalt  }
0x72: {  	_ =	shalt  }
0x73: {  	_ =	shalt  }
0x74: {  	_ =	shalt  }
0x75: {  	_ =	shalt  }
0x76: {  	_ =	shalt  }
0x77: {  	_ =	shalt  }
0x78: {  	_ =	shalt  }
0x79: {  	_ =	shalt  }
0x7a: {  	_ =	shalt  }
0x7b: {  	_ =	shalt  }
0x7c: {  	_ =	shalt  }
0x7d: {  	_ =	shalt  }
0x7e: {  	_ =	shalt  }
0x7f: {  	_ =	shalt  }
0x80: {  	_ =	shalt  }
0x81: {  	_ =	shalt  }
0x82: {  	_ =	shalt  }
0x83: {  	_ =	shalt  }
0x84: {  	_ =	shalt  }
0x85: {  	_ =	shalt  }
0x86: {  	_ =	shalt  }
0x87: {  	_ =	shalt  }
.Lfunc_end0:
.L_simem_size_0:
called_computation_lowered:
.L_overlay_start_0:
0x88: {  	s2 =	sld [smem:$0x3FD9]  }
0x89: {  	s3 =	sld [smem:$0x3FFE];
	_ =	sdelay $0x1  }
0x8a: {  	s1 =	srdreg.scid  }
0x8b: {  	s0 =	sand.u32 $0x1, s1  }
0x8c: {  	s14 =	sshll.u32 s0, $0xA;
	s2 =	sadd.s32 s3, s2  }
0x8d: {  	s2 =	sadd.s32 s2, s14  }
0x8e: {  	[smem:$0x3FC5] =	sst s2  }
0x8f: {  	_ = 	snop  }
0x90: {  	s2 =	sld [smem:$0x3FD0];
	_ =	sdelay $0x2  }
0x91: {  	s4 =	simm.s32 $0xA;
	s5 =	simm.s32 $0x10;
	s15 =	sld [smem:$0x3FC7]  }
0x92: {  	[smem:s5], [sflag:s4] =	dma.local [hbm:s2], $0x1  }
0x93: {  	_ =	swait.eq [sflag:s4], $0x1  }
0x94: {  	[sflag:s4] =	ssyncset.done $0x0  }
0x95: {  	[sflag:s4] =	ssyncadd.s32 $0xFFFFFFFF  }
0x96: {  	s16 =	sld [smem:$0x12];
	(tm) =	ssettm $0x1  }
0x97: {  	s17 =	sld [smem:$0x3FFB];
	_ =	sdelay $0x3  }
0x98: {  	_ =	strace s17  }
0x99: {  	s4 =	sld [smem:$0x3FFC];
	_ =	sdelay $0x3  }
0x9a: {  	_ =	strace s4  }
0x9b: {  	s4 =	sld [smem:$0x3FFD];
	_ =	sdelay $0x3  }
0x9c: {  	_ =	strace s4  }
0x9d: {  	_ =	strace $0x8FFFFFFF  }
0x9e: {  	s18 =	sld [smem:$0x3FDB];
	_ =	sdelay $0x1  }
0x9f: {  	s19 =	simm.s32 $_scs_section_size  }
0xa0: {  	s6 =	simm.s32 $_size__tile_overlayer_lowered;
	s7 =	simm.s32 $_tile_overlayer_lowered  }
0xa1: {  	s22 =	simm.s32 $0x1BFF;
	s21 =	sshll.u32 s7, $0x1;
	s4 =	sadd.s32 s19, s18  }
0xa2: {  	s8 =	simm.s32 $0x0;
	s20 =	sshll.u32 s6, $0x1;
	s6 =	sadd.s32 s21, s4  }
0xa3: {  	[timem:s8], [sflag:s22] =	dma.local [hbm:s6], s20  }
0xa4: {  	_ =	swait.ge [sflag:s22], s20  }
0xa5: {  	s5 =	ssub.s32 $0x0, s20;
	[sflag:s22] =	ssyncset.done $0x0  }
0xa6: {  	[sflag:s22] =	ssyncadd.s32 s5;
	_ =	sdelay $0x1  }
0xa7: {  	s23 =	simm.s32 $0x1B8B  }
0xa8: {  	_ =	swait.ge [sflag:s23], $0x1  }
0xa9: {  	[sflag:s23] =	ssyncset.done $0x0  }
0xaa: {  	s25 =	simm.s32 $0x1B8E;
	s24 =	sld [smem:$0x3FFE];
	[sflag:s23] =	ssyncadd.s32 $0xFFFFFFFF  }
0xab: {  	s26 =	simm.s32 $execute0_lowered;
	[smem:$0x3FD2] =	sst s25  }
0xac: {  	s6 =	sshll.u32 s26, $0x1;
	_ =	strace $0x80000046;
	[dreg:$0x1] =	wrdreg $0xFFFFFFFF  }
0xad: {  	s28 =	simm.s32 $_size_execute0_lowered;
	s4 =	sadd.s32 s4, s6;
	[dreg:$0x0] =	wrdreg $0x0  }
0xae: {  	s6 =	sshll.u32 s28, $0x1;
	[dreg:$0x2] =	wrdreg s4  }
0xaf: {  	[dreg:$0x3] =	wrdreg s6  }
0xb0: {  	[dreg:$0x4] =	wrdreg $0xC0  }
0xb1: {  	_ =	task [dreg:s8], $0x5FFFF  }
0xb2: {  	[dreg:$0x1] =	wrdreg $0xFFFFFFFF  }
0xb3: {  	[dreg:$0x0] =	wrdreg $0x60  }
0xb4: {  	[dreg:$0x2] =	wrdreg s24  }
0xb5: {  	[dreg:$0x3] =	wrdreg s15  }
0xb6: {  	[dreg:$0x4] =	wrdreg s16  }
0xb7: {  	[dreg:$0x5] =	wrdreg $0x9  }
0xb8: {  	_ =	task.clear_ibuf [dreg:s8], $0x6FFFF;
	_ =	strace $0x90000046  }
0xb9: {  	s29 =	simm.s32 $0x9;
	_ =	strace $0x80000048  }
0xba: {  	_ =	swait.ge [sflag:s29], $0x1  }
0xbb: {  	[sflag:s29] =	ssyncadd.s32 $0xFFFFFFFF  }
0xbc: {  	_ =	strace $0x90000048  }
0xbd: {  	_ =	sfence  }
0xbe: {  	s30 =	sld [smem:$0x0];
	_ =	sdelay $0x2  }
0xbf: {  	s31 =	sshll.u32 s1, $0xD;
	s1 =	sshrl.u32 s1, $0x2  }
0xc0: {  	s3 =	sand.u32 $0x4000, s31;
	s1 =	sadd.s32 s1, s30  }
0xc1: {  	s0 =	sor.u32 s3, s0;
	s1 =	sshll.u32 s1, $0x11  }
0xc2: {  	s0 =	sor.u32 s1, s0  }
0xc3: {  	s0 =	sadd.s32 $0x8F2B, s0  }
0xc4: {  	[sflag:s0] =	ssyncadd.remote.s32 $0x1  }
0xc5: {  	_ =	sfence.sel $0xFFFF  }
0xc6: {  	[dreg:$0x0] =	wrdreg $0xFFFFFFFF;
	(pc) =	sbr.abs _section_cstart, $3  }
0xc7: {  	[dreg:$0x1] =	wrdreg $0xFFFFFFFF  }
0xc8: {  	_ =	task.clear_ibuf [dreg:s8], $0x2FFFF;
	_ =	strace $0x9FFFFFFF  }
0xc9: {  	(tm) =	ssettm $0x7FFFFFFF  }
tec
execute0_lowered:
.L_overlay_start_1:
0x0: {  	(tag) =	ssettag $0x1  }
0x1: {  	s7 =	rddreg [dreg:$0x0]  }
0x2: {  	s8 =	rddreg [dreg:$0x1];
	s1 =	srdreg.scid  }
0x3: {  	s0 =	stileid.u32;
	s2 =	rddreg [dreg:$0x2];
	s5 =	simm.s32 $0x0  }
0x4: {  	s3 =	sand.u32 $0x1, s1;
	s4 =	sshll.u32 s0, $0x1;
	s1 =	rddreg [dreg:$0x3]  }
0x5: {  	s6 =	simm.s32 $0x1;
	[smem:$0x7FF] =	sst s5;
	s11 =	sor.u32 s3, s4  }
0x6: {  	s30 =	sshll.u32 s0, $0x6;
	s7 =	sadd.s32 $0xC00, s7;
	s4 =	smul.u32 $0x7A00, s11  }
0x7: {  	_ =	strace $0x80000047;
	s9 =	ssub.s32 $0x2, s3;
	s5 =	sor.u32 $0x1C01, s30  }
0x8: {  	s10 =	sshrl.u32 s9, $0x1;
	s3 =	sadd.s32 s8, s4;
	s4 =	sadd.s32 s2, s4  }
0x9: {  	[hbm:s4], [sflag:s5] =	dma.local [hbm:s3], $0x7A00  }
0xa: {  	p0 =	seq.s32 s11, $0x0;
	s12 =	ssub.s32 s9, s10;
	_ =	swait.ge [sflag:s6], $0x7A00  }
0xb: {  	s9 =	simm.s32 @p0 $0x1;
	s31 =	smax.u32 s12, $0x1;
	[sflag:s6] =	ssyncset.done $0x0  }
0xc: {  	s10 =	sadd.s32 $0xF4000, s2;
	s12 =	sadd.s32 $0xFFFFFFFF, s31;
	[sflag:s6] =	ssyncadd.s32 $0xFFFF8600  }
0xd: {  	[hbm:s2], [sflag:s5] =	dma.local @p0 [hbm:s7], $0x4000  }
0xe: {  	p1 =	sne.s32 @!p0 s11, $0x1F;
	p2 =	sne.s32 s12, $0x0;
	_ =	swait.ge @p0 [sflag:s9], $0x4000  }
.Ltmp0:
0xf: {  	p1 =	por p1, p0;
	[sflag:s9] =	ssyncset.done @p0 $0x0;
	(pc) =	sbr.rel @!p2 .LBB2_2-.Ltmp0, $4  }
0x10: {  	s8 =	sadd.s32 $0xF4000, s8;
	s11 =	simm.s32 @!p1 $0x1;
	[sflag:s9] =	ssyncadd.s32 @p0 $0xFFFFC000  }
0x11: {  	[hbm:s10], [sflag:s5] =	dma.local @!p1 [hbm:s8], $0x280  }
0x12: {  	_ =	swait.ge @!p1 [sflag:s11], $0x280  }
0x13: {  	[sflag:s11] =	ssyncset.done @!p1 $0x0  }
.LBB2_1:
0x14: {  	s12 =	sadd.s32 $0xFFFFFFFF, s12;
	[sflag:s11] =	ssyncadd.s32 @!p1 $0xFFFFFD80  }
0x15: {  	[hbm:s4], [sflag:s5] =	dma.local [hbm:s3], $0x7A00  }
0x16: {  	p2 =	sne.s32 s12, $0x0;
	_ =	swait.ge [sflag:s6], $0x7A00  }
0x17: {  	[sflag:s6] =	ssyncset.done $0x0  }
0x18: {  	[sflag:s6] =	ssyncadd.s32 $0xFFFF8600  }
0x19: {  	[hbm:s2], [sflag:s5] =	dma.local @p0 [hbm:s7], $0x4000  }
0x1a: {  	_ =	swait.ge @p0 [sflag:s9], $0x4000  }
.Ltmp1:
0x1b: {  	[sflag:s9] =	ssyncset.done @p0 $0x0;
	(pc) =	sbr.rel @p2 .LBB2_1-.Ltmp1, $4  }
0x1c: {  	[sflag:s9] =	ssyncadd.s32 @p0 $0xFFFFC000  }
0x1d: {  	[hbm:s10], [sflag:s5] =	dma.local @!p1 [hbm:s8], $0x280  }
0x1e: {  	_ =	swait.ge @!p1 [sflag:s11], $0x280  }
0x1f: {  	[sflag:s11] =	ssyncset.done @!p1 $0x0  }
.LBB2_2:
0x20: {  	[sflag:s11] =	ssyncadd.s32 @!p1 $0xFFFFFD80  }
0x21: {  	_ =	sfence.sel $0x180000  }
0x22: {  	[bflag:$0x0] =	sbarrier.arrive $0xFFFF  }
0x23: {  	p0 =	sne.s32 s0, $0x0;
	_ =	strace $0x90000047  }
0x24: {  	s0 =	sadd.s32 @!p0 $0x100000, s1;
	[bflag:$0x2] =	sbarrier.arrive $0xFFFF  }
0x25: {  	[sflag:s0] =	ssyncadd.tile.s32 @!p0 $0x1;
	_ =	shalt  }
.Lfunc_end2:
_tile_overlayer_lowered:
.L_overlay_start_2:
0x26: {  	(tag) =	ssettag $0x2  }
0x27: {  	s0 =	rddreg [dreg:$0x0];
	s2 =	stileid.u32  }
0x28: {  	s1 =	rddreg [dreg:$0x1];
	p0 =	sne.s32 s2, $0x0  }
0x29: {  	s3 =	rddreg [dreg:$0x2];
	[bflag:$0x3] =	sbarrier.arrive $0xFFFF;
	s2 =	simm.s32 @!p0 $0x1C01  }
0x2a: {  	[timem:s3], [sflag:s2] =	dma.local @!p0 [hbm:s0], s1  }
0x2b: {  	s0 =	simm.s32 @!p0 $0x1  }
0x2c: {  	_ =	swait.ge @!p0 [sflag:s0], s1  }
0x2d: {  	s1 =	ssub.s32 @!p0 $0x0, s1;
	[sflag:s0] =	ssyncset.done @!p0 $0x0  }
0x2e: {  	[sflag:s0] =	ssyncadd.s32 @!p0 s1  }
0x2f: {  	[bflag:$0x3] =	sbarrier.arrive $0xFFFF  }
0x30: {  	_ =	shalt  }

</sc_bundles>
